<compile_context>
chip_gen: v7x
topology: tpu7x:2x2x1
jax: 0.10.2.dev20260603
libtpu: 0.0.44.dev20260713+nightly
codegen_flags: <defaults>
</compile_context>

<pallas_src>
import functools

import jax
import jax.numpy as jnp
from jax import lax
from jax.experimental import pallas as pl
from jax.experimental.pallas import tpu as pltpu
from jax.experimental.pallas import tpu_sc as plsc

N_NODES = 10000
N_REL = 4
D = 128

NC = 2
NS = 16
NW = NC * NS
CHUNK = 128
N_PAD = 10240
ROWS_PER_TILE = N_PAD // NS
ROWS_PER_TILE_LAST = N_NODES - (NS - 1) * ROWS_PER_TILE


def _matmul_body(x_ref, w_ref, o_ref):
    o_ref[...] = lax.dot_general(
        x_ref[...], w_ref[0],
        (((1,), (0,)), ((), ())),
        preferred_element_type=jnp.float32,
        precision=lax.Precision.HIGHEST,
    )


def _pre_sup(x, W):
    return pl.pallas_call(
        _matmul_body,
        grid=(10, N_REL),
        in_specs=[
            pl.BlockSpec((1000, D), lambda i, r: (i, 0)),
            pl.BlockSpec((1, D, D), lambda i, r: (r, 0, 0)),
        ],
        out_specs=pl.BlockSpec((1000, D), lambda i, r: (r * 10 + i, 0)),
        out_shape=jax.ShapeDtypeStruct((N_REL * N_NODES, D), jnp.float32),
    )(x, W)


def _combine_body(p_ref, o_ref):
    o_ref[...] = jnp.maximum(p_ref[0] + p_ref[1], 0.0)


def _combine(partial):
    return pl.pallas_call(
        _combine_body,
        grid=(10,),
        in_specs=[pl.BlockSpec((2, 1000, D), lambda i: (0, i, 0))],
        out_specs=pl.BlockSpec((1000, D), lambda i: (i, 0)),
        out_shape=jax.ShapeDtypeStruct((N_NODES, D), jnp.float32),
    )(partial)


def _sc_aggregate(presup, src, etype, dst, zeros, chunks_per_tile):
    mesh = plsc.VectorSubcoreMesh(core_axis_name="c", subcore_axis_name="s")

    @functools.partial(
        pl.kernel,
        out_type=jax.ShapeDtypeStruct((NC * N_NODES, D), jnp.float32),
        mesh=mesh,
        scratch_types=[
            pltpu.VMEM_SHARED((N_PAD, D), jnp.float32),
            pltpu.VMEM((chunks_per_tile * CHUNK,), jnp.int32),
            pltpu.VMEM((chunks_per_tile * CHUNK,), jnp.int32),
            pltpu.VMEM((chunks_per_tile, CHUNK), jnp.int32),
            pltpu.VMEM((CHUNK,), jnp.int32),
            pltpu.VMEM((CHUNK, D), jnp.float32),
            pltpu.SemaphoreType.DMA,
        ],
    )
    def agg(presup_hbm, src_hbm, type_hbm, dst_hbm, zeros_hbm, out_hbm,
            acc, src_v, type_v, dst_v, gidx_v, rows_v, sem):
        c = lax.axis_index("c")
        s = lax.axis_index("s")
        wid = c * NS + s

        pltpu.sync_copy(src_hbm.at[wid], src_v)
        pltpu.sync_copy(type_hbm.at[wid], type_v)
        pltpu.sync_copy(dst_hbm.at[wid], dst_v)

        pltpu.sync_copy(zeros_hbm, acc.at[pl.ds(s * ROWS_PER_TILE, ROWS_PER_TILE)])
        plsc.subcore_barrier()

        @pl.loop(0, chunks_per_tile)
        def _(j):
            @pl.loop(0, CHUNK // 16)
            def _(k):
                t16 = type_v[pl.ds(j * CHUNK + k * 16, 16)]
                s16 = src_v[pl.ds(j * CHUNK + k * 16, 16)]
                gidx_v[pl.ds(k * 16, 16)] = t16 * N_NODES + s16

            pltpu.async_copy(presup_hbm.at[gidx_v], rows_v, sem).wait()
            pltpu.sync_copy(rows_v, acc.at[dst_v.at[j]], add=True)

        plsc.subcore_barrier()

        row0 = s * ROWS_PER_TILE

        @pl.when(s < NS - 1)
        def _():
            pltpu.sync_copy(acc.at[pl.ds(row0, ROWS_PER_TILE)],
                            out_hbm.at[pl.ds(c * N_NODES + row0, ROWS_PER_TILE)])

        @pl.when(s == NS - 1)
        def _():
            pltpu.sync_copy(acc.at[pl.ds((NS - 1) * ROWS_PER_TILE, ROWS_PER_TILE_LAST)],
                            out_hbm.at[pl.ds(c * N_NODES + (NS - 1) * ROWS_PER_TILE,
                                             ROWS_PER_TILE_LAST)])

    return agg(presup, src, etype, dst, zeros)


def kernel(x, edge_index, edge_type, W):
    n_edges = edge_index.shape[1]
    per_tile = -(-n_edges // (NW * CHUNK)) * CHUNK
    e_pad = NW * per_tile
    chunks_per_tile = per_tile // CHUNK

    src = edge_index[0].astype(jnp.int32)
    dst = edge_index[1].astype(jnp.int32)
    et = edge_type.astype(jnp.int32)

    pad = e_pad - n_edges
    src = jnp.concatenate([src, jnp.zeros((pad,), jnp.int32)])
    et = jnp.concatenate([et, jnp.zeros((pad,), jnp.int32)])
    dst = jnp.concatenate([dst, jnp.full((pad,), N_NODES, jnp.int32)])

    src = src.reshape(NW, per_tile)
    et = et.reshape(NW, per_tile)
    dst = dst.reshape(NW, chunks_per_tile, CHUNK)
    zeros = jnp.zeros((ROWS_PER_TILE, D), jnp.float32)

    presup = _pre_sup(x, W)
    partial = _sc_aggregate(presup, src, et, dst, zeros, chunks_per_tile)
    return _combine(partial.reshape(NC, N_NODES, D))

# --- scband reference (transcript-rebuilt; emitter-appended) ---
"""Pipeline reference for scband-relation-graph-convolution-no-basis-regularization-16982300688782 (READ-ONLY COPY).

The authoritative reference and input builder live on the scoring server;
editing this copy changes nothing except your own understanding.
"""

import jax, jax.numpy as jnp
import numpy as np

N_NODES = 10000
N_EDGES = 320000
N_REL = 4
D_IN = 128
D_OUT = 128

def glorot_init(key, shape):
    limit = np.sqrt(6.0 / (shape[-2] + shape[-1]))
    return jax.random.uniform(key, shape, dtype=jnp.float32, minval=-limit, maxval=limit)

def setup_inputs(seed: int = 0) -> dict:
    key = jax.random.key(seed)
    k_x, k_ei, k_et, k_w = jax.random.split(key, 4)
    x = jax.random.normal(k_x, (N_NODES, D_IN), dtype=jnp.float32)
    edge_index = jax.random.randint(k_ei, (2, N_EDGES), 0, N_NODES, dtype=jnp.int64)
    edge_type = jax.random.randint(k_et, (N_EDGES,), 0, N_REL, dtype=jnp.int64)
    # per-relation weights W_r stacked: [R, D_IN, D_OUT] (glorot init as in original)
    W = glorot_init(k_w, (N_REL, D_IN, D_OUT))
    return {"x": x, "edge_index": edge_index, "edge_type": edge_type, "W": W}

def reference(x, edge_index, edge_type, W):
    # R-GCN layer without basis regularization:
    #   output = relu( sum_r A_r @ (x @ W_r) )
    # A_r is the binary sparse adjacency for relation r, represented here by
    # the subset of (src, dst) edges where edge_type == r.
    n_nodes = x.shape[0]
    # pre_sup_r = x @ W_r for every relation: [R, N, D_OUT]
    pre_sup = jnp.einsum('nd,rde->rne', x, W)
    src = edge_index[0]
    dst = edge_index[1]
    # gather the relation-specific transformed source features per edge: [E, D_OUT]
    msgs = pre_sup[edge_type, src]
    # sparse matmul A_r @ pre_sup_r, summed over relations == scatter-add over all edges
    out = jax.ops.segment_sum(msgs, dst, num_segments=n_nodes)
    return jax.nn.relu(out)

if __name__ == "__main__":
    import jax
    _d = setup_inputs()
    print(jax.jit(kernel)(*tuple(_d.values())))

</pallas_src>

<mosaic_0001>
#map = affine_map<(d0, d1) -> (0, 0)>
#map1 = affine_map<(d0, d1) -> (0, 0, 0)>
module attributes {stable_mosaic.version = 14 : i64} {
  func.func @agg(%arg0: i32, %arg1: i32, %arg2: memref<40000x128xf32, #tpu.memory_space<hbm>>, %arg3: memref<32x10112xi32, #tpu.memory_space<hbm>>, %arg4: memref<32x10112xi32, #tpu.memory_space<hbm>>, %arg5: memref<32x79x128xi32, #tpu.memory_space<hbm>>, %arg6: memref<640x128xf32, #tpu.memory_space<hbm>>, %arg7: memref<20000x128xf32, #tpu.memory_space<hbm>>, %arg8: memref<10240x128xf32, #tpu.memory_space<vmem_shared>>, %arg9: memref<10112xi32, #tpu.memory_space<vmem>>, %arg10: memref<10112xi32, #tpu.memory_space<vmem>>, %arg11: memref<79x128xi32, #tpu.memory_space<vmem>>, %arg12: memref<128xi32, #tpu.memory_space<vmem>>, %arg13: memref<128x128xf32, #tpu.memory_space<vmem>>, %arg14: memref<!tpu.dma_semaphore, #tpu.memory_space<semaphore_mem>>) attributes {dimension_semantics = [#tpu.dimension_semantics<core_parallel>, #tpu.dimension_semantics<subcore_parallel>], iteration_bounds = array<i64: 2, 16>, scalar_prefetch = 0 : i64, scratch_operands = 7 : i64, tpu.core_type = #tpu.core_type<sc_vector_subcore>, window_params = [{transform_indices = #map}, {transform_indices = #map}, {transform_indices = #map}, {transform_indices = #map1}, {transform_indices = #map}, {transform_indices = #map}]} {
    %mul3A = arith.constant 16 : i32
    %mul3A_0 = arith.muli %arg0, %mul3A : i32
    %add3A = arith.addi %mul3A_0, %arg1 : i32
    "tpu.region"() ({
      %run_scoped3A = tpu.sem_alloc : memref<!tpu.dma_semaphore, #tpu.memory_space<semaphore_mem>>
      %dma_start3A = arith.constant 0 : i32
      %dma_start3A_16 = tpu.memref_slice %arg3[%add3A, %dma_start3A] : memref<32x10112xi32, #tpu.memory_space<hbm>> -> memref<1x10112xi32, #tpu.memory_space<hbm>>
      %dma_start3A_17 = tpu.memref_squeeze %dma_start3A_16 : memref<1x10112xi32, #tpu.memory_space<hbm>> -> memref<10112xi32, #tpu.memory_space<hbm>>
      %dma_start3A_18 = arith.constant 0 : i32
      %dma_start3A_19 = tpu.memref_slice %arg3[%add3A, %dma_start3A_18] : memref<32x10112xi32, #tpu.memory_space<hbm>> -> memref<1x10112xi32, #tpu.memory_space<hbm>>
      %dma_start3A_20 = tpu.memref_squeeze %dma_start3A_19 : memref<1x10112xi32, #tpu.memory_space<hbm>> -> memref<10112xi32, #tpu.memory_space<hbm>>
      tpu.enqueue_dma source(%dma_start3A_20 : memref<10112xi32, #tpu.memory_space<hbm>>) target(%arg9 : memref<10112xi32, #tpu.memory_space<vmem>>) target_semaphore(%run_scoped3A : memref<!tpu.dma_semaphore, #tpu.memory_space<semaphore_mem>>)
      %dma_wait3A = arith.constant 0 : i32
      %dma_wait3A_21 = tpu.memref_slice %arg3[%add3A, %dma_wait3A] : memref<32x10112xi32, #tpu.memory_space<hbm>> -> memref<1x10112xi32, #tpu.memory_space<hbm>>
      %dma_wait3A_22 = tpu.memref_squeeze %dma_wait3A_21 : memref<1x10112xi32, #tpu.memory_space<hbm>> -> memref<10112xi32, #tpu.memory_space<hbm>>
      %dma_wait3A_23 = arith.constant 0 : i32
      %dma_wait3A_24 = tpu.memref_slice %arg3[%add3A, %dma_wait3A_23] : memref<32x10112xi32, #tpu.memory_space<hbm>> -> memref<1x10112xi32, #tpu.memory_space<hbm>>
      %dma_wait3A_25 = tpu.memref_squeeze %dma_wait3A_24 : memref<1x10112xi32, #tpu.memory_space<hbm>> -> memref<10112xi32, #tpu.memory_space<hbm>>
      tpu.wait_dma2 semaphore(%run_scoped3A : memref<!tpu.dma_semaphore, #tpu.memory_space<semaphore_mem>>) src(%dma_wait3A_25 : memref<10112xi32, #tpu.memory_space<hbm>>) dst(%arg9 : memref<10112xi32, #tpu.memory_space<vmem>>)
      tpu.yield
    }) : () -> ()
    "tpu.region"() ({
      %run_scoped3A = tpu.sem_alloc : memref<!tpu.dma_semaphore, #tpu.memory_space<semaphore_mem>>
      %dma_start3A = arith.constant 0 : i32
      %dma_start3A_16 = tpu.memref_slice %arg4[%add3A, %dma_start3A] : memref<32x10112xi32, #tpu.memory_space<hbm>> -> memref<1x10112xi32, #tpu.memory_space<hbm>>
      %dma_start3A_17 = tpu.memref_squeeze %dma_start3A_16 : memref<1x10112xi32, #tpu.memory_space<hbm>> -> memref<10112xi32, #tpu.memory_space<hbm>>
      %dma_start3A_18 = arith.constant 0 : i32
      %dma_start3A_19 = tpu.memref_slice %arg4[%add3A, %dma_start3A_18] : memref<32x10112xi32, #tpu.memory_space<hbm>> -> memref<1x10112xi32, #tpu.memory_space<hbm>>
      %dma_start3A_20 = tpu.memref_squeeze %dma_start3A_19 : memref<1x10112xi32, #tpu.memory_space<hbm>> -> memref<10112xi32, #tpu.memory_space<hbm>>
      tpu.enqueue_dma source(%dma_start3A_20 : memref<10112xi32, #tpu.memory_space<hbm>>) target(%arg10 : memref<10112xi32, #tpu.memory_space<vmem>>) target_semaphore(%run_scoped3A : memref<!tpu.dma_semaphore, #tpu.memory_space<semaphore_mem>>)
      %dma_wait3A = arith.constant 0 : i32
      %dma_wait3A_21 = tpu.memref_slice %arg4[%add3A, %dma_wait3A] : memref<32x10112xi32, #tpu.memory_space<hbm>> -> memref<1x10112xi32, #tpu.memory_space<hbm>>
      %dma_wait3A_22 = tpu.memref_squeeze %dma_wait3A_21 : memref<1x10112xi32, #tpu.memory_space<hbm>> -> memref<10112xi32, #tpu.memory_space<hbm>>
      %dma_wait3A_23 = arith.constant 0 : i32
      %dma_wait3A_24 = tpu.memref_slice %arg4[%add3A, %dma_wait3A_23] : memref<32x10112xi32, #tpu.memory_space<hbm>> -> memref<1x10112xi32, #tpu.memory_space<hbm>>
      %dma_wait3A_25 = tpu.memref_squeeze %dma_wait3A_24 : memref<1x10112xi32, #tpu.memory_space<hbm>> -> memref<10112xi32, #tpu.memory_space<hbm>>
      tpu.wait_dma2 semaphore(%run_scoped3A : memref<!tpu.dma_semaphore, #tpu.memory_space<semaphore_mem>>) src(%dma_wait3A_25 : memref<10112xi32, #tpu.memory_space<hbm>>) dst(%arg10 : memref<10112xi32, #tpu.memory_space<vmem>>)
      tpu.yield
    }) : () -> ()
    "tpu.region"() ({
      %run_scoped3A = tpu.sem_alloc : memref<!tpu.dma_semaphore, #tpu.memory_space<semaphore_mem>>
      %dma_start3A = arith.constant 0 : i32
      %dma_start3A_16 = arith.constant 0 : i32
      %dma_start3A_17 = tpu.memref_slice %arg5[%add3A, %dma_start3A, %dma_start3A_16] : memref<32x79x128xi32, #tpu.memory_space<hbm>> -> memref<1x79x128xi32, #tpu.memory_space<hbm>>
      %dma_start3A_18 = tpu.memref_squeeze %dma_start3A_17 : memref<1x79x128xi32, #tpu.memory_space<hbm>> -> memref<79x128xi32, #tpu.memory_space<hbm>>
      %dma_start3A_19 = arith.constant 0 : i32
      %dma_start3A_20 = arith.constant 0 : i32
      %dma_start3A_21 = tpu.memref_slice %arg5[%add3A, %dma_start3A_19, %dma_start3A_20] : memref<32x79x128xi32, #tpu.memory_space<hbm>> -> memref<1x79x128xi32, #tpu.memory_space<hbm>>
      %dma_start3A_22 = tpu.memref_squeeze %dma_start3A_21 : memref<1x79x128xi32, #tpu.memory_space<hbm>> -> memref<79x128xi32, #tpu.memory_space<hbm>>
      tpu.enqueue_dma source(%dma_start3A_22 : memref<79x128xi32, #tpu.memory_space<hbm>>) target(%arg11 : memref<79x128xi32, #tpu.memory_space<vmem>>) target_semaphore(%run_scoped3A : memref<!tpu.dma_semaphore, #tpu.memory_space<semaphore_mem>>)
      %dma_wait3A = arith.constant 0 : i32
      %dma_wait3A_23 = arith.constant 0 : i32
      %dma_wait3A_24 = tpu.memref_slice %arg5[%add3A, %dma_wait3A, %dma_wait3A_23] : memref<32x79x128xi32, #tpu.memory_space<hbm>> -> memref<1x79x128xi32, #tpu.memory_space<hbm>>
      %dma_wait3A_25 = tpu.memref_squeeze %dma_wait3A_24 : memref<1x79x128xi32, #tpu.memory_space<hbm>> -> memref<79x128xi32, #tpu.memory_space<hbm>>
      %dma_wait3A_26 = arith.constant 0 : i32
      %dma_wait3A_27 = arith.constant 0 : i32
      %dma_wait3A_28 = tpu.memref_slice %arg5[%add3A, %dma_wait3A_26, %dma_wait3A_27] : memref<32x79x128xi32, #tpu.memory_space<hbm>> -> memref<1x79x128xi32, #tpu.memory_space<hbm>>
      %dma_wait3A_29 = tpu.memref_squeeze %dma_wait3A_28 : memref<1x79x128xi32, #tpu.memory_space<hbm>> -> memref<79x128xi32, #tpu.memory_space<hbm>>
      tpu.wait_dma2 semaphore(%run_scoped3A : memref<!tpu.dma_semaphore, #tpu.memory_space<semaphore_mem>>) src(%dma_wait3A_29 : memref<79x128xi32, #tpu.memory_space<hbm>>) dst(%arg11 : memref<79x128xi32, #tpu.memory_space<vmem>>)
      tpu.yield
    }) : () -> ()
    %mul3A_1 = arith.constant 640 : i32
    %mul3A_2 = arith.muli %arg1, %mul3A_1 : i32
    "tpu.region"() ({
      %run_scoped3A = tpu.sem_alloc : memref<!tpu.dma_semaphore, #tpu.memory_space<semaphore_mem>>
      %dma_start3A = arith.constant 0 : i32
      %dma_start3A_16 = tpu.memref_slice %arg8[%mul3A_2, %dma_start3A] : memref<10240x128xf32, #tpu.memory_space<vmem_shared>> -> memref<640x128xf32, #tpu.memory_space<vmem_shared>>
      tpu.enqueue_dma source(%arg6 : memref<640x128xf32, #tpu.memory_space<hbm>>) target(%dma_start3A_16 : memref<640x128xf32, #tpu.memory_space<vmem_shared>>) target_semaphore(%run_scoped3A : memref<!tpu.dma_semaphore, #tpu.memory_space<semaphore_mem>>)
      %dma_wait3A = arith.constant 0 : i32
      %dma_wait3A_17 = tpu.memref_slice %arg8[%mul3A_2, %dma_wait3A] : memref<10240x128xf32, #tpu.memory_space<vmem_shared>> -> memref<640x128xf32, #tpu.memory_space<vmem_shared>>
      tpu.wait_dma2 semaphore(%run_scoped3A : memref<!tpu.dma_semaphore, #tpu.memory_space<semaphore_mem>>) src(%arg6 : memref<640x128xf32, #tpu.memory_space<hbm>>) dst(%dma_wait3A_17 : memref<640x128xf32, #tpu.memory_space<vmem_shared>>)
      tpu.yield
    }) : () -> ()
    %barrier3A = arith.constant 0 : index
    tpu.barrier barrier_id(%barrier3A)
    %scan3A = arith.constant 0 : i32
    %scan3A_3 = arith.constant 79 : i32
    %scan3A_4 = arith.addi %scan3A, %scan3A_3 : i32
    %scan3A_5 = arith.constant 1 : i32
    scf.for %scan3A_16 = %scan3A to %scan3A_4 step %scan3A_5  : i32 {
      %mul3A_17 = arith.constant 1 : i32
      %mul3A_18 = arith.muli %scan3A_16, %mul3A_17 : i32
      %add3A_19 = arith.constant 0 : i32
      %add3A_20 = arith.addi %add3A_19, %mul3A_18 : i32
      %scan3A_21 = arith.constant 0 : i32
      %scan3A_22 = arith.constant 8 : i32
      %scan3A_23 = arith.addi %scan3A_21, %scan3A_22 : i32
      %scan3A_24 = arith.constant 1 : i32
      scf.for %scan3A_30 = %scan3A_21 to %scan3A_23 step %scan3A_24  : i32 {
        %mul3A_31 = arith.constant 1 : i32
        %mul3A_32 = arith.muli %scan3A_30, %mul3A_31 : i32
        %add3A_33 = arith.constant 0 : i32
        %add3A_34 = arith.addi %add3A_33, %mul3A_32 : i32
        %mul3A_35 = arith.constant 128 : i32
        %mul3A_36 = arith.muli %add3A_20, %mul3A_35 : i32
        %mul3A_37 = arith.constant 16 : i32
        %mul3A_38 = arith.muli %add3A_34, %mul3A_37 : i32
        %add3A_39 = arith.addi %mul3A_36, %mul3A_38 : i32
        %get3A = arith.index_cast %add3A_39 : i32 to index
        %get3A_40 = tpu.vector_load %arg10[%get3A] {strides = array<i32>} : memref<10112xi32, #tpu.memory_space<vmem>>, vector<16xi32>,
        %get3A_41 = vector.shape_cast %get3A_40 : vector<16xi32> to vector<16xi32>
        %mul3A_42 = arith.constant 128 : i32
        %mul3A_43 = arith.muli %add3A_20, %mul3A_42 : i32
        %mul3A_44 = arith.constant 16 : i32
        %mul3A_45 = arith.muli %add3A_34, %mul3A_44 : i32
        %add3A_46 = arith.addi %mul3A_43, %mul3A_45 : i32
        %get3A_47 = arith.index_cast %add3A_46 : i32 to index
        %get3A_48 = tpu.vector_load %arg9[%get3A_47] {strides = array<i32>} : memref<10112xi32, #tpu.memory_space<vmem>>, vector<16xi32>,
        %get3A_49 = vector.shape_cast %get3A_48 : vector<16xi32> to vector<16xi32>
        %mul3A_50 = arith.constant 10000 : i32
        %mul3A_51 = vector.broadcast %mul3A_50 : i32 to vector<16xi32>
        %mul3A_52 = arith.muli %get3A_41, %mul3A_51 : vector<16xi32>
        %add3A_53 = arith.addi %mul3A_52, %get3A_49 : vector<16xi32>
        %mul3A_54 = arith.constant 16 : i32
        %mul3A_55 = arith.muli %add3A_34, %mul3A_54 : i32
        %swap3A = arith.index_cast %mul3A_55 : i32 to index
        %swap3A_56 = tpu.vector_load %arg12[%swap3A] {strides = array<i32>} : memref<128xi32, #tpu.memory_space<vmem>>, vector<16xi32>,
        %swap3A_57 = vector.shape_cast %swap3A_56 : vector<16xi32> to vector<16xi32>
        %swap3A_58 = vector.shape_cast %add3A_53 : vector<16xi32> to vector<16xi32>
        tpu.vector_store %arg12[%swap3A], %swap3A_58 {strides = array<i32>} : memref<128xi32, #tpu.memory_space<vmem>>, vector<16xi32>,
      }
      %scan3A_25 = arith.constant 8 : i32
      %dma_start3A = arith.constant 0 : i32
      %dma_start3A_26 = arith.constant 0 : i32
      %dma_start3A_27 = tpu.memref_slice %arg2[%dma_start3A, %dma_start3A_26] : memref<40000x128xf32, #tpu.memory_space<hbm>> -> memref<40000x128xf32, #tpu.memory_space<hbm>>
      tpu.enqueue_indirect_dma source(%dma_start3A_27 : memref<40000x128xf32, #tpu.memory_space<hbm>>) target(%arg13 : memref<128x128xf32, #tpu.memory_space<vmem>>) offsets(%arg12 : memref<128xi32, #tpu.memory_space<vmem>>) semaphore(%arg14 : memref<!tpu.dma_semaphore, #tpu.memory_space<semaphore_mem>>)
      %dma_wait3A = arith.constant 0 : i32
      %dma_wait3A_28 = arith.constant 0 : i32
      %dma_wait3A_29 = tpu.memref_slice %arg2[%dma_wait3A, %dma_wait3A_28] : memref<40000x128xf32, #tpu.memory_space<hbm>> -> memref<40000x128xf32, #tpu.memory_space<hbm>>
      tpu.wait_indirect_dma semaphore(%arg14 : memref<!tpu.dma_semaphore, #tpu.memory_space<semaphore_mem>>) src(%dma_wait3A_29 : memref<40000x128xf32, #tpu.memory_space<hbm>>) dst(%arg13 : memref<128x128xf32, #tpu.memory_space<vmem>>)
      "tpu.region"() ({
        %run_scoped3A = tpu.sem_alloc : memref<!tpu.dma_semaphore, #tpu.memory_space<semaphore_mem>>
        %dma_start3A_30 = arith.constant 0 : i32
        %dma_start3A_31 = tpu.memref_slice %arg11[%add3A_20, %dma_start3A_30] : memref<79x128xi32, #tpu.memory_space<vmem>> -> memref<1x128xi32, #tpu.memory_space<vmem>>
        %dma_start3A_32 = tpu.memref_squeeze %dma_start3A_31 : memref<1x128xi32, #tpu.memory_space<vmem>> -> memref<128xi32, #tpu.memory_space<vmem>>
        %dma_start3A_33 = arith.constant 0 : i32
        %dma_start3A_34 = arith.constant 0 : i32
        %dma_start3A_35 = tpu.memref_slice %arg8[%dma_start3A_33, %dma_start3A_34] : memref<10240x128xf32, #tpu.memory_space<vmem_shared>> -> memref<10240x128xf32, #tpu.memory_space<vmem_shared>>
        tpu.enqueue_indirect_dma source(%arg13 : memref<128x128xf32, #tpu.memory_space<vmem>>) target(%dma_start3A_35 : memref<10240x128xf32, #tpu.memory_space<vmem_shared>>) offsets(%dma_start3A_32 : memref<128xi32, #tpu.memory_space<vmem>>) semaphore(%run_scoped3A : memref<!tpu.dma_semaphore, #tpu.memory_space<semaphore_mem>>) {add = true}
        %dma_wait3A_36 = arith.constant 0 : i32
        %dma_wait3A_37 = tpu.memref_slice %arg11[%add3A_20, %dma_wait3A_36] : memref<79x128xi32, #tpu.memory_space<vmem>> -> memref<1x128xi32, #tpu.memory_space<vmem>>
        %dma_wait3A_38 = tpu.memref_squeeze %dma_wait3A_37 : memref<1x128xi32, #tpu.memory_space<vmem>> -> memref<128xi32, #tpu.memory_space<vmem>>
        %dma_wait3A_39 = arith.constant 0 : i32
        %dma_wait3A_40 = arith.constant 0 : i32
        %dma_wait3A_41 = tpu.memref_slice %arg8[%dma_wait3A_39, %dma_wait3A_40] : memref<10240x128xf32, #tpu.memory_space<vmem_shared>> -> memref<10240x128xf32, #tpu.memory_space<vmem_shared>>
        tpu.wait_indirect_dma semaphore(%run_scoped3A : memref<!tpu.dma_semaphore, #tpu.memory_space<semaphore_mem>>) src(%arg13 : memref<128x128xf32, #tpu.memory_space<vmem>>) dst(%dma_wait3A_41 : memref<10240x128xf32, #tpu.memory_space<vmem_shared>>)
        tpu.yield
      }) : () -> ()
    }
    %scan3A_6 = arith.constant 79 : i32
    %barrier3A_7 = arith.constant 0 : index
    tpu.barrier barrier_id(%barrier3A_7)
    %mul3A_8 = arith.constant 640 : i32
    %mul3A_9 = arith.muli %arg1, %mul3A_8 : i32
    %lt3A = arith.constant 15 : i32
    %lt3A_10 = arith.cmpi slt, %arg1, %lt3A : i32
    %convert_element_type3A = arith.extui %lt3A_10 : i1 to i32
    %cond3A = arith.constant 0 : i32
    %cond3A_11 = arith.cmpi ne, %convert_element_type3A, %cond3A : i32
    scf.if %cond3A_11 {
      %mul3A_16 = arith.constant 10000 : i32
      %mul3A_17 = arith.muli %arg0, %mul3A_16 : i32
      %add3A_18 = arith.addi %mul3A_17, %mul3A_9 : i32
      "tpu.region"() ({
        %run_scoped3A = tpu.sem_alloc : memref<!tpu.dma_semaphore, #tpu.memory_space<semaphore_mem>>
        %dma_start3A = arith.constant 0 : i32
        %dma_start3A_19 = tpu.memref_slice %arg7[%add3A_18, %dma_start3A] : memref<20000x128xf32, #tpu.memory_space<hbm>> -> memref<640x128xf32, #tpu.memory_space<hbm>>
        %dma_start3A_20 = arith.constant 0 : i32
        %dma_start3A_21 = tpu.memref_slice %arg8[%mul3A_9, %dma_start3A_20] : memref<10240x128xf32, #tpu.memory_space<vmem_shared>> -> memref<640x128xf32, #tpu.memory_space<vmem_shared>>
        tpu.enqueue_dma source(%dma_start3A_21 : memref<640x128xf32, #tpu.memory_space<vmem_shared>>) target(%dma_start3A_19 : memref<640x128xf32, #tpu.memory_space<hbm>>) target_semaphore(%run_scoped3A : memref<!tpu.dma_semaphore, #tpu.memory_space<semaphore_mem>>)
        %dma_wait3A = arith.constant 0 : i32
        %dma_wait3A_22 = tpu.memref_slice %arg7[%add3A_18, %dma_wait3A] : memref<20000x128xf32, #tpu.memory_space<hbm>> -> memref<640x128xf32, #tpu.memory_space<hbm>>
        %dma_wait3A_23 = arith.constant 0 : i32
        %dma_wait3A_24 = tpu.memref_slice %arg8[%mul3A_9, %dma_wait3A_23] : memref<10240x128xf32, #tpu.memory_space<vmem_shared>> -> memref<640x128xf32, #tpu.memory_space<vmem_shared>>
        tpu.wait_dma2 semaphore(%run_scoped3A : memref<!tpu.dma_semaphore, #tpu.memory_space<semaphore_mem>>) src(%dma_wait3A_24 : memref<640x128xf32, #tpu.memory_space<vmem_shared>>) dst(%dma_wait3A_22 : memref<640x128xf32, #tpu.memory_space<hbm>>)
        tpu.yield
      }) : () -> ()
    } else {
    }
    %eq3A = arith.constant 15 : i32
    %eq3A_12 = arith.cmpi eq, %arg1, %eq3A : i32
    %convert_element_type3A_13 = arith.extui %eq3A_12 : i1 to i32
    %cond3A_14 = arith.constant 0 : i32
    %cond3A_15 = arith.cmpi ne, %convert_element_type3A_13, %cond3A_14 : i32
    scf.if %cond3A_15 {
      %mul3A_16 = arith.constant 10000 : i32
      %mul3A_17 = arith.muli %arg0, %mul3A_16 : i32
      %add3A_18 = arith.constant 9600 : i32
      %add3A_19 = arith.addi %mul3A_17, %add3A_18 : i32
      "tpu.region"() ({
        %run_scoped3A = tpu.sem_alloc : memref<!tpu.dma_semaphore, #tpu.memory_space<semaphore_mem>>
        %dma_start3A = arith.constant 0 : i32
        %dma_start3A_20 = tpu.memref_slice %arg7[%add3A_19, %dma_start3A] : memref<20000x128xf32, #tpu.memory_space<hbm>> -> memref<400x128xf32, #tpu.memory_space<hbm>>
        %dma_start3A_21 = arith.constant 9600 : i32
        %dma_start3A_22 = arith.constant 0 : i32
        %dma_start3A_23 = tpu.memref_slice %arg8[%dma_start3A_21, %dma_start3A_22] : memref<10240x128xf32, #tpu.memory_space<vmem_shared>> -> memref<400x128xf32, #tpu.memory_space<vmem_shared>>
        tpu.enqueue_dma source(%dma_start3A_23 : memref<400x128xf32, #tpu.memory_space<vmem_shared>>) target(%dma_start3A_20 : memref<400x128xf32, #tpu.memory_space<hbm>>) target_semaphore(%run_scoped3A : memref<!tpu.dma_semaphore, #tpu.memory_space<semaphore_mem>>)
        %dma_wait3A = arith.constant 0 : i32
        %dma_wait3A_24 = tpu.memref_slice %arg7[%add3A_19, %dma_wait3A] : memref<20000x128xf32, #tpu.memory_space<hbm>> -> memref<400x128xf32, #tpu.memory_space<hbm>>
        %dma_wait3A_25 = arith.constant 9600 : i32
        %dma_wait3A_26 = arith.constant 0 : i32
        %dma_wait3A_27 = tpu.memref_slice %arg8[%dma_wait3A_25, %dma_wait3A_26] : memref<10240x128xf32, #tpu.memory_space<vmem_shared>> -> memref<400x128xf32, #tpu.memory_space<vmem_shared>>
        tpu.wait_dma2 semaphore(%run_scoped3A : memref<!tpu.dma_semaphore, #tpu.memory_space<semaphore_mem>>) src(%dma_wait3A_27 : memref<400x128xf32, #tpu.memory_space<vmem_shared>>) dst(%dma_wait3A_24 : memref<400x128xf32, #tpu.memory_space<hbm>>)
        tpu.yield
      }) : () -> ()
    } else {
    }
    return
  }
}

module attributes {stable_mosaic.version = 14 : i64} {
  func.func @_combine_body(%arg0: i32, %arg1: memref<2x1000x128xf32, #tpu.memory_space<vmem>>, %arg2: memref<1000x128xf32, #tpu.memory_space<vmem>>) attributes {dimension_semantics = [#tpu.dimension_semantics<arbitrary>], iteration_bounds = array<i64: 10>, scalar_prefetch = 0 : i64, scratch_operands = 0 : i64, tpu.core_type = #tpu.core_type<tc>, window_params = [{transform_indices = @transform_0, window_bounds = array<i64: 2, 1000, 128>}, {transform_indices = @transform_1, window_bounds = array<i64: 1000, 128>}]} {
    %get3A = arith.constant 0 : index
    %get3A_0 = arith.constant 0 : index
    %get3A_1 = arith.constant 0 : index
    %get3A_2 = vector.load %arg1[%get3A, %get3A_0, %get3A_1] : memref<2x1000x128xf32, #tpu.memory_space<vmem>>, vector<1x1000x128xf32>
    %get3A_3 = vector.shape_cast %get3A_2 : vector<1x1000x128xf32> to vector<1000x128xf32>
    %get3A_4 = arith.constant 1 : index
    %get3A_5 = arith.constant 0 : index
    %get3A_6 = arith.constant 0 : index
    %get3A_7 = vector.load %arg1[%get3A_4, %get3A_5, %get3A_6] : memref<2x1000x128xf32, #tpu.memory_space<vmem>>, vector<1x1000x128xf32>
    %get3A_8 = vector.shape_cast %get3A_7 : vector<1x1000x128xf32> to vector<1000x128xf32>
    %add3A = arith.addf %get3A_3, %get3A_8 : vector<1000x128xf32>
    %max3A = arith.constant 0.000000e+00 : f32
    %max3A_9 = vector.broadcast %max3A : f32 to vector<1000x128xf32>
    %max3A_10 = arith.maximumf %add3A, %max3A_9 : vector<1000x128xf32>
    %swap3A = arith.constant 0 : index
    %swap3A_11 = arith.constant 0 : index
    %swap3A_12 = vector.load %arg2[%swap3A, %swap3A_11] : memref<1000x128xf32, #tpu.memory_space<vmem>>, vector<1000x128xf32>
    tpu.vector_store %arg2[%swap3A, %swap3A_11], %max3A_10 {strides = array<i32>} : memref<1000x128xf32, #tpu.memory_space<vmem>>, vector<1000x128xf32>,
    return
  }
  func.func @transform_0(%arg0: i32) -> (i32, i32, i32) {
    %c0_i32 = arith.constant 0 : i32
    %c0_i32_0 = arith.constant 0 : i32
    %c0_i32_1 = arith.constant 0 : i32
    return %c0_i32, %arg0, %c0_i32_0 : i32, i32, i32
  }
  func.func @transform_1(%arg0: i32) -> (i32, i32) {
    %c0_i32 = arith.constant 0 : i32
    %c0_i32_0 = arith.constant 0 : i32
    return %arg0, %c0_i32 : i32, i32
  }
}

module attributes {stable_mosaic.version = 14 : i64} {
  func.func @_matmul_body(%arg0: i32, %arg1: i32, %arg2: memref<1000x128xf32, #tpu.memory_space<vmem>>, %arg3: memref<1x128x128xf32, #tpu.memory_space<vmem>>, %arg4: memref<1000x128xf32, #tpu.memory_space<vmem>>) attributes {dimension_semantics = [#tpu.dimension_semantics<arbitrary>, #tpu.dimension_semantics<arbitrary>], iteration_bounds = array<i64: 10, 4>, scalar_prefetch = 0 : i64, scratch_operands = 0 : i64, tpu.core_type = #tpu.core_type<tc>, window_params = [{transform_indices = @transform_0, window_bounds = array<i64: 1000, 128>}, {transform_indices = @transform_1, window_bounds = array<i64: 1, 128, 128>}, {transform_indices = @transform_2, window_bounds = array<i64: 1000, 128>}]} {
    %get3A = arith.constant 0 : index
    %get3A_0 = arith.constant 0 : index
    %get3A_1 = vector.load %arg2[%get3A, %get3A_0] : memref<1000x128xf32, #tpu.memory_space<vmem>>, vector<1000x128xf32>
    %get3A_2 = arith.constant 0 : index
    %get3A_3 = arith.constant 0 : index
    %get3A_4 = arith.constant 0 : index
    %get3A_5 = vector.load %arg3[%get3A_2, %get3A_3, %get3A_4] : memref<1x128x128xf32, #tpu.memory_space<vmem>>, vector<1x128x128xf32>
    %get3A_6 = vector.shape_cast %get3A_5 : vector<1x128x128xf32> to vector<128x128xf32>
    %dot_general3A = arith.constant dense<0.000000e+00> : vector<1000x128xf32>
    %dot_general3A_7 = tpu.matmul %get3A_1, %get3A_6, %dot_general3A {dimension_numbers = #tpu.dot_dimension_numbers<[1], [0], [0], [1], [0, 0, 1, 1], [], []>, precision = #tpu.contract_precision<fp32>, transpose_lhs_hint = false} : vector<1000x128xf32>, vector<128x128xf32>, vector<1000x128xf32> -> vector<1000x128xf32>
    %swap3A = arith.constant 0 : index
    %swap3A_8 = arith.constant 0 : index
    %swap3A_9 = vector.load %arg4[%swap3A, %swap3A_8] : memref<1000x128xf32, #tpu.memory_space<vmem>>, vector<1000x128xf32>
    tpu.vector_store %arg4[%swap3A, %swap3A_8], %dot_general3A_7 {strides = array<i32>} : memref<1000x128xf32, #tpu.memory_space<vmem>>, vector<1000x128xf32>,
    return
  }
  func.func @transform_0(%arg0: i32, %arg1: i32) -> (i32, i32) {
    %c0_i32 = arith.constant 0 : i32
    %c0_i32_0 = arith.constant 0 : i32
    return %arg0, %c0_i32 : i32, i32
  }
  func.func @transform_1(%arg0: i32, %arg1: i32) -> (i32, i32, i32) {
    %c0_i32 = arith.constant 0 : i32
    %c0_i32_0 = arith.constant 0 : i32
    %c0_i32_1 = arith.constant 0 : i32
    return %arg1, %c0_i32, %c0_i32_0 : i32, i32, i32
  }
  func.func @transform_2(%arg0: i32, %arg1: i32) -> (i32, i32) {
    %mul3A = arith.constant 10 : i32
    %mul3A_0 = arith.muli %arg1, %mul3A : i32
    %add3A = arith.addi %mul3A_0, %arg0 : i32
    %c0_i32 = arith.constant 0 : i32
    %c0_i32_1 = arith.constant 0 : i32
    return %add3A, %c0_i32 : i32, i32
  }
}

</mosaic_0001>

<sc_bundles>
// kernel: kernel.5.cloned.1.call-start
scs
__scs_entry_jumppad:
0x0: {  	(pc) =	sbr.rel $0x88, $3  }
0x1: {  	(tag) =	ssettag $0x0;
	lr =	simm.s32 $0x1  }
0x2: {  	[smem:$0x3F9D] =	sst lr;
	_ =	strace $0xD0000000  }
0x3: {  	_ = 	snop  }
0x4: {  	_ = 	snop  }
0x5: {  	_ = 	snop  }
0x6: {  	_ = 	snop  }
0x7: {  	_ = 	snop  }
__scs_overlays_trampoline_lowered:
0x8: {  	[smem:$0x3FAC] =	sst s0  }
0x9: {  	[smem:$0x3FAD] =	sst s1  }
0xa: {  	[smem:$0x3FAE] =	sst s2  }
0xb: {  	[smem:$0x3FAF] =	sst s3  }
0xc: {  	[smem:$0x3FB0] =	sst s4  }
0xd: {  	[smem:$0x3FB1] =	sst s5  }
0xe: {  	[smem:$0x3FB2] =	sst s6  }
0xf: {  	[smem:$0x3FB3] =	sst s7  }
0x10: {  	[smem:$0x3FB4] =	sst s8  }
0x11: {  	[smem:$0x3FB5] =	sst s9;
	s0 =	simm.s32 @!p0 $0x0  }
0x12: {  	s1 =	sld [smem:$0x3F9B];
	s0 =	simm.s32 @p0 $0x1  }
0x13: {  	[smem:$0x3FB6] =	sst s0;
	s0 =	simm.s32 @!p1 $0x0  }
0x14: {  	s2 =	sld [smem:$0x3F9A];
	s0 =	simm.s32 @p1 $0x1  }
0x15: {  	[smem:$0x3FB7] =	sst s0;
	s0 =	simm.s32 @!p2 $0x0  }
0x16: {  	s3 =	sld [smem:$0x3FDB];
	s0 =	simm.s32 @p2 $0x1  }
0x17: {  	s4 =	simm.s32 $0x1BF5;
	[smem:$0x3FB9] =	sst s0  }
0x18: {  	s0 =	sld [smem:$0x3F9C];
	_ =	swait.ge [sflag:s4], $0x0  }
0x19: {  	s7 =	sld [smem:$0x3F9D]  }
0x1a: {  	s8 =	sadd.s32 $0xFFFFE003, lr  }
0x1b: {  	s9 =	sadd.s32 $0xFFFFFEF7, lr;
	s5 =	simm.s32 $0xFFFFFFFF;
	p2 =	slt.u32 s8, $0xFFFFF086  }
0x1c: {  	p1 =	slt.u32 s9, $0xF7A;
	s5 =	simm.s32 @!p2 $0x0  }
0x1d: {  	s5 =	simm.s32 @p1 $0x1;
	p0 =	seq.s32 s7, s2  }
0x1e: {  	s7 =	smul.u32 @!p0 $0xF7A, s2;
	p2 =	seq.s32 @!p0 s5, $0x0  }
0x1f: {  	s9 =	smul.u32 $0xF7A, s1;
	s8 =	simm.s32 @!p0 $0x1BF5;
	p2 =	por !p2, p0  }
0x20: {  	[sflag:s8] =	ssyncset.s32 @!p0 $0xFFFFF086;
	s6 =	sadd.s32 @!p0 s3, s7;
	s7 =	simm.s32 @!p0 $0x108  }
0x21: {  	s3 =	sadd.s32 s3, s9;
	s6 =	sadd.s32 @!p0 $0x88, s6;
	s7 =	simm.s32 @p2 $0x1082  }
0x22: {  	[simem:s7], [sflag:s8] =	dma.local @!p0 [hbm:s6], $0xF7A  }
0x23: {  	s9 =	sor.u32 $0xD0000000, s2;
	s6 =	simm.s32 $0x108;
	_ =	swait.ge @!p0 [sflag:s8], $0x0  }
0x24: {  	s3 =	sadd.s32 $0x88, s3;
	s6 =	simm.s32 @!p1 $0x1082;
	[sflag:s4] =	ssyncset.s32 $0xFFFFF086  }
0x25: {  	[simem:s6], [sflag:s4] =	dma.local [hbm:s3], $0xF7A  }
0x26: {  	[smem:$0x3F9D] =	sst s1;
	(tag) =	ssettag s2;
	_ =	strace s9  }
0x27: {  	s1 =	sld [smem:$0x3FAD]  }
0x28: {  	s2 =	sld [smem:$0x3FAE]  }
0x29: {  	s4 =	sld [smem:$0x3FB0]  }
0x2a: {  	p0 =	seq.s32 s5, $0x0;
	s5 =	sld [smem:$0x3FB1]  }
0x2b: {  	s6 =	sld [smem:$0x3FB2]  }
0x2c: {  	s7 =	sld [smem:$0x3FB3]  }
0x2d: {  	s3 =	simm.s32 $0x108;
	s8 =	sld [smem:$0x3FB4]  }
0x2e: {  	s3 =	simm.s32 @!p0 $0x1082;
	s9 =	sld [smem:$0x3FB5]  }
0x2f: {  	lr =	sadd.s32 s0, s3;
	s0 =	sld [smem:$0x3FAC]  }
0x30: {  	s3 =	sld [smem:$0x3FAF]  }
0x31: {  	[smem:$0x3FB8] =	sst s10  }
0x32: {  	s10 =	sld [smem:$0x3FB6];
	_ =	sdelay $0x3  }
0x33: {  	p0 =	seq.s32 s10, $0x1;
	s10 =	sld [smem:$0x3FB8];
	_ =	sdelay $0x3  }
0x34: {  	[smem:$0x3FB8] =	sst s10  }
0x35: {  	s10 =	sld [smem:$0x3FB7];
	_ =	sdelay $0x3  }
0x36: {  	p1 =	seq.s32 s10, $0x1;
	s10 =	sld [smem:$0x3FB8];
	_ =	sdelay $0x3  }
0x37: {  	[smem:$0x3FB8] =	sst s10  }
0x38: {  	s10 =	sld [smem:$0x3FB9]  }
0x39: {  	_ = 	snop;
	(pc) =	sbr.ind lr, $3  }
0x3a: {  	_ = 	snop  }
0x3b: {  	_ = 	snop  }
0x3c: {  	p2 =	seq.s32 s10, $0x1;
	s10 =	sld [smem:$0x3FB8]  }
0x3d: {  	_ =	shalt  }
0x3e: {  	_ =	shalt  }
0x3f: {  	_ =	shalt  }
0x40: {  	_ =	shalt  }
0x41: {  	_ =	shalt  }
0x42: {  	_ =	shalt  }
0x43: {  	_ =	shalt  }
0x44: {  	_ =	shalt  }
0x45: {  	_ =	shalt  }
0x46: {  	_ =	shalt  }
0x47: {  	_ =	shalt  }
0x48: {  	_ =	shalt  }
0x49: {  	_ =	shalt  }
0x4a: {  	_ =	shalt  }
0x4b: {  	_ =	shalt  }
0x4c: {  	_ =	shalt  }
0x4d: {  	_ =	shalt  }
0x4e: {  	_ =	shalt  }
0x4f: {  	_ =	shalt  }
0x50: {  	_ =	shalt  }
0x51: {  	_ =	shalt  }
0x52: {  	_ =	shalt  }
0x53: {  	_ =	shalt  }
0x54: {  	_ =	shalt  }
0x55: {  	_ =	shalt  }
0x56: {  	_ =	shalt  }
0x57: {  	_ =	shalt  }
0x58: {  	_ =	shalt  }
0x59: {  	_ =	shalt  }
0x5a: {  	_ =	shalt  }
0x5b: {  	_ =	shalt  }
0x5c: {  	_ =	shalt  }
0x5d: {  	_ =	shalt  }
0x5e: {  	_ =	shalt  }
0x5f: {  	_ =	shalt  }
0x60: {  	_ =	shalt  }
0x61: {  	_ =	shalt  }
0x62: {  	_ =	shalt  }
0x63: {  	_ =	shalt  }
0x64: {  	_ =	shalt  }
0x65: {  	_ =	shalt  }
0x66: {  	_ =	shalt  }
0x67: {  	_ =	shalt  }
0x68: {  	_ =	shalt  }
0x69: {  	_ =	shalt  }
0x6a: {  	_ =	shalt  }
0x6b: {  	_ =	shalt  }
0x6c: {  	_ =	shalt  }
0x6d: {  	_ =	shalt  }
0x6e: {  	_ =	shalt  }
0x6f: {  	_ =	shalt  }
0x70: {  	_ =	shalt  }
0x71: {  	_ =	shalt  }
0x72: {  	_ =	shalt  }
0x73: {  	_ =	shalt  }
0x74: {  	_ =	shalt  }
0x75: {  	_ =	shalt  }
0x76: {  	_ =	shalt  }
0x77: {  	_ =	shalt  }
0x78: {  	_ =	shalt  }
0x79: {  	_ =	shalt  }
0x7a: {  	_ =	shalt  }
0x7b: {  	_ =	shalt  }
0x7c: {  	_ =	shalt  }
0x7d: {  	_ =	shalt  }
0x7e: {  	_ =	shalt  }
0x7f: {  	_ =	shalt  }
0x80: {  	_ =	shalt  }
0x81: {  	_ =	shalt  }
0x82: {  	_ =	shalt  }
0x83: {  	_ =	shalt  }
0x84: {  	_ =	shalt  }
0x85: {  	_ =	shalt  }
0x86: {  	_ =	shalt  }
0x87: {  	_ =	shalt  }
.Lfunc_end0:
.L_simem_size_0:
called_computation_lowered:
.L_overlay_start_0:
0x88: {  	s2 =	sld [smem:$0x3FD9]  }
0x89: {  	s3 =	sld [smem:$0x3FFE];
	_ =	sdelay $0x1  }
0x8a: {  	s1 =	srdreg.scid  }
0x8b: {  	s0 =	sand.u32 $0x1, s1  }
0x8c: {  	s17 =	sshll.u32 s0, $0xA;
	s2 =	sadd.s32 s3, s2  }
0x8d: {  	s2 =	sadd.s32 s2, s17  }
0x8e: {  	[smem:$0x3FC4] =	sst s2  }
0x8f: {  	_ = 	snop  }
0x90: {  	s2 =	sld [smem:$0x3FD0];
	(tm) =	ssettm $0x1  }
0x91: {  	s18 =	sld [smem:$0x3FFB];
	_ =	sdelay $0x3  }
0x92: {  	_ =	strace s18  }
0x93: {  	s3 =	sld [smem:$0x3FFC];
	_ =	sdelay $0x3  }
0x94: {  	_ =	strace s3  }
0x95: {  	s3 =	sld [smem:$0x3FFD];
	_ =	sdelay $0x3  }
0x96: {  	_ =	strace s3  }
0x97: {  	_ =	strace $0x8FFFFFFF  }
0x98: {  	s19 =	sld [smem:$0x3FDB];
	_ =	sdelay $0x1  }
0x99: {  	s4 =	simm.s32 $_scs_section_size  }
0x9a: {  	s5 =	simm.s32 $_size__tile_overlayer_lowered;
	s6 =	simm.s32 $_tile_overlayer_lowered  }
0x9b: {  	s22 =	simm.s32 $0x1BFF;
	s21 =	sshll.u32 s6, $0x1;
	s3 =	sadd.s32 s4, s19  }
0x9c: {  	s7 =	simm.s32 $0x0;
	s20 =	sshll.u32 s5, $0x1;
	s5 =	sadd.s32 s21, s3  }
0x9d: {  	[timem:s7], [sflag:s22] =	dma.local [hbm:s5], s20  }
0x9e: {  	_ =	swait.ge [sflag:s22], s20  }
0x9f: {  	s4 =	ssub.s32 $0x0, s20;
	[sflag:s22] =	ssyncset.done $0x0  }
0xa0: {  	[sflag:s22] =	ssyncadd.s32 s4;
	_ =	sdelay $0x1  }
0xa1: {  	s23 =	simm.s32 $0x1B8B  }
0xa2: {  	_ =	swait.ge [sflag:s23], $0x1  }
0xa3: {  	[sflag:s23] =	ssyncset.done $0x0  }
0xa4: {  	s25 =	simm.s32 $0x1B8E;
	s24 =	sld [smem:$0x3FFE];
	[sflag:s23] =	ssyncadd.s32 $0xFFFFFFFF  }
0xa5: {  	s26 =	simm.s32 $execute0_lowered;
	[smem:$0x3FD2] =	sst s25  }
0xa6: {  	s5 =	sshll.u32 s26, $0x1;
	_ =	strace $0x80000046;
	[dreg:$0x1] =	wrdreg $0xFFFFFFFF  }
0xa7: {  	s28 =	simm.s32 $_size_execute0_lowered;
	s3 =	sadd.s32 s3, s5;
	[dreg:$0x0] =	wrdreg $0x0  }
0xa8: {  	s5 =	sshll.u32 s28, $0x1;
	[dreg:$0x2] =	wrdreg s3  }
0xa9: {  	[dreg:$0x3] =	wrdreg s5  }
0xaa: {  	[dreg:$0x4] =	wrdreg $0xC0  }
0xab: {  	_ =	task [dreg:s7], $0x5FFFF  }
0xac: {  	[dreg:$0x1] =	wrdreg $0xFFFFFFFF  }
0xad: {  	[dreg:$0x0] =	wrdreg $0x60  }
0xae: {  	[dreg:$0x2] =	wrdreg s24  }
0xaf: {  	[dreg:$0x3] =	wrdreg s2  }
0xb0: {  	[dreg:$0x4] =	wrdreg $0x0  }
0xb1: {  	[dreg:$0x5] =	wrdreg $0x9  }
0xb2: {  	_ =	task.clear_ibuf [dreg:s7], $0x6FFFF;
	_ =	strace $0x90000046  }
0xb3: {  	s29 =	simm.s32 $0x9;
	_ =	strace $0x80000048  }
0xb4: {  	_ =	swait.ge [sflag:s29], $0x1  }
0xb5: {  	[sflag:s29] =	ssyncadd.s32 $0xFFFFFFFF  }
0xb6: {  	_ =	strace $0x90000048  }
0xb7: {  	_ =	sfence  }
0xb8: {  	s30 =	sld [smem:$0x0];
	_ =	sdelay $0x2  }
0xb9: {  	s31 =	sshll.u32 s1, $0xD;
	s1 =	sshrl.u32 s1, $0x2  }
0xba: {  	s3 =	sand.u32 $0x4000, s31;
	s1 =	sadd.s32 s1, s30  }
0xbb: {  	s0 =	sor.u32 s3, s0;
	s1 =	sshll.u32 s1, $0x11  }
0xbc: {  	s0 =	sor.u32 s1, s0  }
0xbd: {  	s0 =	sadd.s32 $0x8F2B, s0  }
0xbe: {  	[sflag:s0] =	ssyncadd.remote.s32 $0x1  }
0xbf: {  	_ =	sfence.sel $0xFFFF  }
0xc0: {  	[dreg:$0x0] =	wrdreg $0xFFFFFFFF;
	(pc) =	sbr.abs _section_cstart, $3  }
0xc1: {  	[dreg:$0x1] =	wrdreg $0xFFFFFFFF  }
0xc2: {  	_ =	task.clear_ibuf [dreg:s7], $0x2FFFF;
	_ =	strace $0x9FFFFFFF  }
0xc3: {  	(tm) =	ssettm $0x7FFFFFFF  }
tec
execute0_lowered:
.L_overlay_start_1:
0x0: {  	(tag) =	ssettag $0x1  }
0x1: {  	s6 =	rddreg [dreg:$0x0]  }
0x2: {  	s0 =	srdreg.scid;
	s8 =	rddreg [dreg:$0x1]  }
0x3: {  	s2 =	rddreg [dreg:$0x2];
	s3 =	simm.s32 $0x0;
	s17 =	simm.s32 $0x16780  }
0x4: {  	s18 =	simm.s32 $0x18F00;
	s21 =	simm.s32 $0x1B700;
	s22 =	simm.s32 $0x1B780  }
0x5: {  	s23 =	simm.s32 $0x1;
	s7 =	sand.u32 $0x1, s0;
	s0 =	stileid.u32  }
0x6: {  	s25 =	simm.s32 $0x0;
	[smem:$0x7FF] =	sst s3;
	s10 =	smul.u32 $0x2800, s0  }
0x7: {  	s16 =	sadd.s32 $0xB3200, s6;
	s24 =	sadd.s32 $0x12C000, s2;
	s13 =	smul.u32 $0x50000, s0  }
0x8: {  	s1 =	sshll.u32 s7, $0x4;
	s9 =	sshll.u32 s0, $0x7;
	s15 =	smul.u32 $0x27100, s7  }
0x9: {  	s12 =	ssub.s32 $0x2, s7;
	s29 =	smul.u32 $0x138800, s7;
	s19 =	sshll.u32 s0, $0x6  }
0xa: {  	p0 =	seq.s32 s0, $0xF;
	s4 =	sor.u32 s0, s1;
	s1 =	rddreg [dreg:$0x3]  }
0xb: {  	s9 =	sand.u32 $0x380, s9;
	_ =	strace $0x80000047;
	s14 =	sshrl.u32 s12, $0x1  }
0xc: {  	s19 =	sor.u32 $0x1C02, s19;
	s24 =	sshrl.u32 @p0 s24, $0x3;
	s5 =	sshrl.u32 s4, $0x3  }
0xd: {  	s28 =	smul.u32 $0x500, s4;
	s4 =	sadd.s32 $0x14600, s6;
	s12 =	ssub.s32 s12, s14  }
0xe: {  	s30 =	sshrl.u32 s13, $0x2;
	s10 =	sadd.s32 s10, s15;
	s5 =	smul.u32 $0x13C00, s5  }
0xf: {  	s31 =	sshrl.u32 s29, $0x3;
	s13 =	simm.s32 $0x80;
	s14 =	simm.s32 $0x400  }
0x10: {  	s15 =	simm.s32 $0x14000;
	s10 =	sadd.s32 s16, s10;
	s5 =	sor.u32 s9, s5  }
0x11: {  	s12 =	smax.u32 s12, $0x1;
	s8 =	sadd.s32 s8, s28;
	s5 =	sshrl.u32 s5, $0x3  }
0x12: {  	s9 =	sadd.s32 s30, s2;
	s11 =	sadd.s32 s5, s6;
	s5 =	sadd.s32 $0xB0A00, s6  }
0x13: {  	s6 =	sadd.s32 $0xA800, s11;
	s7 =	sadd.s32 $0xA00, s11;
	s11 =	sadd.s32 s16, s31  }
0x14: {  	s20 =	sshrl.u32 s9, $0x3;
	s16 =	simm.s32 $0x2;
	s11 =	sadd.s32 $0x25800, s11  }
.LBB2_1:
0x15: {  	[tilespmem:s15], [sflag:$0x2] =	stream.strided.gather [hbm4b:s6+s13], $0x2780, s14, s13, $0x38;
	[tilespmem:$0x1F780] =	vst v63  }
0x16: {  	_ =	swait.ge [sflag:s16], $0x2780  }
0x17: {  	[sflag:s16] =	ssyncset.done $0x0  }
0x18: {  	[sflag:s16] =	ssyncadd.s32 $0xFFFFD880  }
0x19: {  	[tilespmem:s17], [sflag:$0x2] =	stream.strided.gather [hbm4b:s7+s13], $0x2780, s14, s13, $0x38;
	[tilespmem:$0x1F780] =	vst v63  }
0x1a: {  	_ =	swait.ge [sflag:s16], $0x2780  }
0x1b: {  	[sflag:s16] =	ssyncset.done $0x0  }
0x1c: {  	[sflag:s16] =	ssyncadd.s32 $0xFFFFD880  }
0x1d: {  	[tilespmem:s18], [sflag:$0x2] =	stream.linear.gather [hbm4b:s8+s3], $0x2780, $0x38;
	[tilespmem:$0x1F780] =	vst v63  }
0x1e: {  	_ =	swait.ge [sflag:s16], $0x2780  }
0x1f: {  	[sflag:s16] =	ssyncset.done $0x0  }
0x20: {  	[sflag:s16] =	ssyncadd.s32 $0xFFFFD880  }
0x21: {  	[spmem:s20], [sflag:s19] =	dma.local [hbm:s5], $0x2800  }
0x22: {  	_ =	swait.ge [sflag:s16], $0x2800  }
0x23: {  	[sflag:s16] =	ssyncset.done $0x0  }
0x24: {  	[sflag:s16] =	ssyncadd.s32 $0xFFFFD800  }
0x25: {  	s26 =	simm.s32 $0x0;
	[bflag:$0x0] =	sbarrier.arrive $0xFFFF  }
0x26: {  	v0 =	vld [tilespmem:s26+$0x16780];
	_ =	sdelay $0x1  }
0x27: {  	v1 =	vld [tilespmem:s26+$0x14000];
	_ =	sdelay $0x2  }
0x28: {  	v0 =	vmul.u32 $0x2710, v0;
	_ =	sdelay $0x1  }
0x29: {  	v0 =	vadd.s32 v1, v0  }
0x2a: {  	[tilespmem:$0x1B700] =	vst v0  }
0x2b: {  	v0 =	vld [tilespmem:s26+$0x16790];
	_ =	sdelay $0x1  }
0x2c: {  	v57 =	vld [tilespmem:s26+$0x14010];
	_ =	sdelay $0x2  }
0x2d: {  	v0 =	vmul.u32 $0x2710, v0;
	_ =	sdelay $0x1  }
0x2e: {  	v0 =	vadd.s32 v57, v0  }
0x2f: {  	[tilespmem:$0x1B710] =	vst v0  }
0x30: {  	v0 =	vld [tilespmem:s26+$0x167A0];
	_ =	sdelay $0x1  }
0x31: {  	v58 =	vld [tilespmem:s26+$0x14020];
	_ =	sdelay $0x2  }
0x32: {  	v0 =	vmul.u32 $0x2710, v0;
	_ =	sdelay $0x1  }
0x33: {  	v0 =	vadd.s32 v58, v0  }
0x34: {  	[tilespmem:$0x1B720] =	vst v0  }
0x35: {  	v0 =	vld [tilespmem:s26+$0x167B0];
	_ =	sdelay $0x1  }
0x36: {  	v59 =	vld [tilespmem:s26+$0x14030];
	_ =	sdelay $0x2  }
0x37: {  	v0 =	vmul.u32 $0x2710, v0;
	_ =	sdelay $0x1  }
0x38: {  	v0 =	vadd.s32 v59, v0  }
0x39: {  	[tilespmem:$0x1B730] =	vst v0  }
0x3a: {  	v0 =	vld [tilespmem:s26+$0x167C0];
	_ =	sdelay $0x1  }
0x3b: {  	v60 =	vld [tilespmem:s26+$0x14040];
	_ =	sdelay $0x2  }
0x3c: {  	v0 =	vmul.u32 $0x2710, v0;
	_ =	sdelay $0x1  }
0x3d: {  	v0 =	vadd.s32 v60, v0  }
0x3e: {  	[tilespmem:$0x1B740] =	vst v0  }
0x3f: {  	v0 =	vld [tilespmem:s26+$0x167D0];
	_ =	sdelay $0x1  }
0x40: {  	v61 =	vld [tilespmem:s26+$0x14050];
	_ =	sdelay $0x2  }
0x41: {  	v0 =	vmul.u32 $0x2710, v0;
	_ =	sdelay $0x1  }
0x42: {  	v0 =	vadd.s32 v61, v0  }
0x43: {  	[tilespmem:$0x1B750] =	vst v0  }
0x44: {  	v0 =	vld [tilespmem:s26+$0x167E0];
	_ =	sdelay $0x1  }
0x45: {  	v62 =	vld [tilespmem:s26+$0x14060];
	_ =	sdelay $0x2  }
0x46: {  	v0 =	vmul.u32 $0x2710, v0;
	_ =	sdelay $0x1  }
0x47: {  	v0 =	vadd.s32 v62, v0  }
0x48: {  	[tilespmem:$0x1B760] =	vst v0  }
0x49: {  	v0 =	vld [tilespmem:s26+$0x167F0];
	_ =	sdelay $0x1  }
0x4a: {  	v63 =	vld [tilespmem:s26+$0x14070];
	_ =	sdelay $0x2  }
0x4b: {  	v0 =	vmul.u32 $0x2710, v0;
	_ =	sdelay $0x1  }
0x4c: {  	v0 =	vadd.s32 v63, v0  }
0x4d: {  	[tilespmem:$0x1B770] =	vst v0  }
0x4e: {  	[tilespmem:s22], [sflag:$0x1] =	stream.indirect.gather [hbm4b:s4+s13], $0x80, s21, s13, $0xb8;
	[tilespmem:$0x1F780] =	vst v63  }
0x4f: {  	_ =	swait.ge [sflag:s23], $0x4000  }
0x50: {  	[sflag:s23] =	ssyncset.done $0x0  }
0x51: {  	s31 =	simm.s32 $0x18F00;
	[sflag:s23] =	ssyncadd.s32 $0xFFFFC000  }
0x52: {  	[spmem:s2] =	stream.indirect.scatter.add.f32 [tilespmem:s22], [sflag:$0x2], $0x80, s31, s13, $0xb8;
	[tilespmem:$0x1F780] =	vst v63  }
0x53: {  	_ =	swait.ge [sflag:s16], $0x4000  }
0x54: {  	s30 =	simm.s32 $0x400;
	s26 =	simm.s32 $0x200;
	[sflag:s16] =	ssyncset.done $0x0  }
.LBB2_2:
0x55: {  	s29 =	sshra.s32 s26, $0x2  }
0x56: {  	[sflag:s16] =	ssyncadd.s32 $0xFFFFC000;
	s26 =	smov.u32 s30;
	s28 =	sadd.s32 $0x200, s30  }
0x57: {  	p1 =	sne.s32 s30, $0x9C00;
	v0 =	vld [tilespmem:s29+$0x16780];
	_ =	sdelay $0x1  }
0x58: {  	v1 =	vld [tilespmem:s29+$0x14000];
	_ =	sdelay $0x2  }
0x59: {  	v0 =	vmul.u32 $0x2710, v0;
	_ =	sdelay $0x1  }
0x5a: {  	v0 =	vadd.s32 v1, v0  }
0x5b: {  	[tilespmem:$0x1B700] =	vst v0  }
0x5c: {  	v0 =	vld [tilespmem:s29+$0x16790];
	_ =	sdelay $0x1  }
0x5d: {  	v1 =	vld [tilespmem:s29+$0x14010];
	_ =	sdelay $0x2  }
0x5e: {  	v0 =	vmul.u32 $0x2710, v0;
	_ =	sdelay $0x1  }
0x5f: {  	v0 =	vadd.s32 v1, v0  }
0x60: {  	[tilespmem:$0x1B710] =	vst v0  }
0x61: {  	v0 =	vld [tilespmem:s29+$0x167A0];
	_ =	sdelay $0x1  }
0x62: {  	v1 =	vld [tilespmem:s29+$0x14020];
	_ =	sdelay $0x2  }
0x63: {  	v0 =	vmul.u32 $0x2710, v0;
	_ =	sdelay $0x1  }
0x64: {  	v0 =	vadd.s32 v1, v0  }
0x65: {  	[tilespmem:$0x1B720] =	vst v0  }
0x66: {  	v0 =	vld [tilespmem:s29+$0x167B0];
	_ =	sdelay $0x1  }
0x67: {  	v1 =	vld [tilespmem:s29+$0x14030];
	_ =	sdelay $0x2  }
0x68: {  	v0 =	vmul.u32 $0x2710, v0;
	_ =	sdelay $0x1  }
0x69: {  	v0 =	vadd.s32 v1, v0  }
0x6a: {  	[tilespmem:$0x1B730] =	vst v0  }
0x6b: {  	v0 =	vld [tilespmem:s29+$0x167C0];
	_ =	sdelay $0x1  }
0x6c: {  	v1 =	vld [tilespmem:s29+$0x14040];
	_ =	sdelay $0x2  }
0x6d: {  	v0 =	vmul.u32 $0x2710, v0;
	_ =	sdelay $0x1  }
0x6e: {  	v0 =	vadd.s32 v1, v0  }
0x6f: {  	[tilespmem:$0x1B740] =	vst v0  }
0x70: {  	v0 =	vld [tilespmem:s29+$0x167D0];
	_ =	sdelay $0x1  }
0x71: {  	v1 =	vld [tilespmem:s29+$0x14050];
	_ =	sdelay $0x2  }
0x72: {  	v0 =	vmul.u32 $0x2710, v0;
	_ =	sdelay $0x1  }
0x73: {  	v0 =	vadd.s32 v1, v0  }
0x74: {  	[tilespmem:$0x1B750] =	vst v0  }
0x75: {  	v0 =	vld [tilespmem:s29+$0x167E0]  }
0x76: {  	v1 =	vld [tilespmem:s29+$0x14060];
	_ =	sdelay $0x3  }
0x77: {  	v0 =	vmul.u32 $0x2710, v0;
	_ =	sdelay $0x1  }
0x78: {  	v0 =	vadd.s32 v1, v0  }
0x79: {  	[tilespmem:$0x1B760] =	vst v0  }
0x7a: {  	v0 =	vld [tilespmem:s29+$0x167F0]  }
0x7b: {  	v1 =	vld [tilespmem:s29+$0x14070];
	_ =	sdelay $0x3  }
0x7c: {  	v0 =	vmul.u32 $0x2710, v0;
	_ =	sdelay $0x1  }
0x7d: {  	v0 =	vadd.s32 v1, v0  }
0x7e: {  	[tilespmem:$0x1B770] =	vst v0  }
0x7f: {  	[tilespmem:s22], [sflag:$0x1] =	stream.indirect.gather [hbm4b:s4+s13], $0x80, s21, s13, $0xb8;
	[tilespmem:$0x1F780] =	vst v63  }
0x80: {  	_ =	swait.ge [sflag:s23], $0x4000  }
.Ltmp0:
0x81: {  	[sflag:s23] =	ssyncset.done $0x0;
	(pc) =	sbr.rel @p1 .LBB2_2-.Ltmp0, $4  }
0x82: {  	s29 =	sadd.s32 $0x18F00, s29;
	[sflag:s23] =	ssyncadd.s32 $0xFFFFC000  }
0x83: {  	[spmem:s2] =	stream.indirect.scatter.add.f32 [tilespmem:s22], [sflag:$0x2], $0x80, s29, s13, $0xb8;
	[tilespmem:$0x1F780] =	vst v63  }
0x84: {  	_ =	swait.ge [sflag:s16], $0x4000  }
0x85: {  	s30 =	smov.u32 s28;
	[sflag:s16] =	ssyncset.done $0x0  }
0x86: {  	s26 =	sshra.s32 s26, $0x2;
	[sflag:s16] =	ssyncadd.s32 $0xFFFFC000  }
0x87: {  	v0 =	vld [tilespmem:s26+$0x16780];
	_ =	sdelay $0x1  }
0x88: {  	v1 =	vld [tilespmem:s26+$0x14000];
	_ =	sdelay $0x2  }
0x89: {  	v0 =	vmul.u32 $0x2710, v0;
	_ =	sdelay $0x1  }
0x8a: {  	v0 =	vadd.s32 v1, v0  }
0x8b: {  	[tilespmem:$0x1B700] =	vst v0  }
0x8c: {  	v0 =	vld [tilespmem:s26+$0x16790];
	_ =	sdelay $0x1  }
0x8d: {  	v57 =	vld [tilespmem:s26+$0x14010];
	_ =	sdelay $0x2  }
0x8e: {  	v0 =	vmul.u32 $0x2710, v0;
	_ =	sdelay $0x1  }
0x8f: {  	v0 =	vadd.s32 v57, v0  }
0x90: {  	[tilespmem:$0x1B710] =	vst v0  }
0x91: {  	v0 =	vld [tilespmem:s26+$0x167A0];
	_ =	sdelay $0x1  }
0x92: {  	v58 =	vld [tilespmem:s26+$0x14020];
	_ =	sdelay $0x2  }
0x93: {  	v0 =	vmul.u32 $0x2710, v0;
	_ =	sdelay $0x1  }
0x94: {  	v0 =	vadd.s32 v58, v0  }
0x95: {  	[tilespmem:$0x1B720] =	vst v0  }
0x96: {  	v0 =	vld [tilespmem:s26+$0x167B0];
	_ =	sdelay $0x1  }
0x97: {  	v59 =	vld [tilespmem:s26+$0x14030];
	_ =	sdelay $0x2  }
0x98: {  	v0 =	vmul.u32 $0x2710, v0;
	_ =	sdelay $0x1  }
0x99: {  	v0 =	vadd.s32 v59, v0  }
0x9a: {  	[tilespmem:$0x1B730] =	vst v0  }
0x9b: {  	v0 =	vld [tilespmem:s26+$0x167C0];
	_ =	sdelay $0x1  }
0x9c: {  	v60 =	vld [tilespmem:s26+$0x14040];
	_ =	sdelay $0x2  }
0x9d: {  	v0 =	vmul.u32 $0x2710, v0;
	_ =	sdelay $0x1  }
0x9e: {  	v0 =	vadd.s32 v60, v0  }
0x9f: {  	[tilespmem:$0x1B740] =	vst v0  }
0xa0: {  	v0 =	vld [tilespmem:s26+$0x167D0];
	_ =	sdelay $0x1  }
0xa1: {  	v61 =	vld [tilespmem:s26+$0x14050];
	_ =	sdelay $0x2  }
0xa2: {  	v0 =	vmul.u32 $0x2710, v0;
	_ =	sdelay $0x1  }
0xa3: {  	v0 =	vadd.s32 v61, v0  }
0xa4: {  	[tilespmem:$0x1B750] =	vst v0  }
0xa5: {  	v0 =	vld [tilespmem:s26+$0x167E0];
	_ =	sdelay $0x1  }
0xa6: {  	v62 =	vld [tilespmem:s26+$0x14060];
	_ =	sdelay $0x2  }
0xa7: {  	v0 =	vmul.u32 $0x2710, v0;
	_ =	sdelay $0x1  }
0xa8: {  	v0 =	vadd.s32 v62, v0  }
0xa9: {  	[tilespmem:$0x1B760] =	vst v0  }
0xaa: {  	v0 =	vld [tilespmem:s26+$0x167F0];
	_ =	sdelay $0x1  }
0xab: {  	v63 =	vld [tilespmem:s26+$0x14070];
	_ =	sdelay $0x2  }
0xac: {  	v0 =	vmul.u32 $0x2710, v0;
	_ =	sdelay $0x1  }
0xad: {  	v0 =	vadd.s32 v63, v0  }
0xae: {  	[tilespmem:$0x1B770] =	vst v0  }
0xaf: {  	[tilespmem:s22], [sflag:$0x1] =	stream.indirect.gather [hbm4b:s4+s13], $0x80, s21, s13, $0xb8;
	[tilespmem:$0x1F780] =	vst v63  }
0xb0: {  	_ =	swait.ge [sflag:s23], $0x4000  }
0xb1: {  	[sflag:s23] =	ssyncset.done $0x0  }
0xb2: {  	s26 =	sadd.s32 $0x18F00, s26;
	[sflag:s23] =	ssyncadd.s32 $0xFFFFC000  }
0xb3: {  	[spmem:s2] =	stream.indirect.scatter.add.f32 [tilespmem:s22], [sflag:$0x2], $0x80, s26, s13, $0xb8;
	[tilespmem:$0x1F780] =	vst v63  }
0xb4: {  	_ =	swait.ge [sflag:s16], $0x4000  }
0xb5: {  	[sflag:s16] =	ssyncset.done $0x0  }
0xb6: {  	[sflag:s16] =	ssyncadd.s32 $0xFFFFC000  }
0xb7: {  	s26 =	simm.s32 @p0 $0x2;
	[bflag:$0x0] =	sbarrier.arrive $0xFFFF  }
0xb8: {  	[hbm:s11], [sflag:s19] =	dma.local @p0 [spmem:s24], $0x1900  }
0xb9: {  	_ =	swait.ge @p0 [sflag:s26], $0x1900  }
0xba: {  	s25 =	sadd.s32 $0x1, s25;
	[sflag:s26] =	ssyncset.done @p0 $0x0  }
0xbb: {  	p1 =	sne.s32 s25, s12;
	[sflag:s26] =	ssyncadd.s32 @p0 $0xFFFFE700;
	s26 =	sshrl.u32 @!p0 s9, $0x3  }
0xbc: {  	[hbm:s10], [sflag:s19] =	dma.local @!p0 [spmem:s26], $0x2800  }
.Ltmp1:
0xbd: {  	_ = 	snop;
	(pc) =	sbr.rel @p1 .LBB2_1-.Ltmp1, $4  }
0xbe: {  	s26 =	simm.s32 @!p0 $0x2  }
0xbf: {  	_ =	swait.ge @!p0 [sflag:s26], $0x2800  }
0xc0: {  	[sflag:s26] =	ssyncset.done @!p0 $0x0  }
0xc1: {  	[sflag:s26] =	ssyncadd.s32 @!p0 $0xFFFFD800  }
0xc2: {  	_ =	sfence.sel $0x180000  }
0xc3: {  	[bflag:$0x0] =	sbarrier.arrive $0xFFFF  }
0xc4: {  	p0 =	sne.s32 s0, $0x0;
	_ =	strace $0x90000047  }
0xc5: {  	s0 =	sadd.s32 @!p0 $0x100000, s1;
	[bflag:$0x2] =	sbarrier.arrive $0xFFFF  }
0xc6: {  	[sflag:s0] =	ssyncadd.tile.s32 @!p0 $0x1;
	_ =	shalt  }
.Lfunc_end2:
_tile_overlayer_lowered:
.L_overlay_start_2:
0xc7: {  	(tag) =	ssettag $0x2  }
0xc8: {  	s0 =	rddreg [dreg:$0x0];
	s2 =	stileid.u32  }
0xc9: {  	s1 =	rddreg [dreg:$0x1];
	p0 =	sne.s32 s2, $0x0  }
0xca: {  	s3 =	rddreg [dreg:$0x2];
	[bflag:$0x3] =	sbarrier.arrive $0xFFFF;
	s2 =	simm.s32 @!p0 $0x1C02  }
0xcb: {  	[timem:s3], [sflag:s2] =	dma.local @!p0 [hbm:s0], s1  }
0xcc: {  	s0 =	simm.s32 @!p0 $0x2  }
0xcd: {  	_ =	swait.ge @!p0 [sflag:s0], s1  }
0xce: {  	s1 =	ssub.s32 @!p0 $0x0, s1;
	[sflag:s0] =	ssyncset.done @!p0 $0x0  }
0xcf: {  	[sflag:s0] =	ssyncadd.s32 @!p0 s1  }
0xd0: {  	[bflag:$0x3] =	sbarrier.arrive $0xFFFF  }
0xd1: {  	_ =	shalt  }

</sc_bundles>
